<compile_context>
chip_gen: v7x
topology: tpu7x:2x2x1
jax: 0.10.2.dev20260603
libtpu: 0.0.44.dev20260713+nightly
codegen_flags: <defaults>
</compile_context>

<pallas_src>
import jax
import jax.numpy as jnp
from jax import lax
from jax.experimental import pallas as pl
from jax.experimental.pallas import tpu as pltpu
from jax.experimental.pallas import tpu_sc as plsc

N = 4096
NC, NS, L = 2, 16, 16
NW = NC * NS
SPW = N // NW


def _sc_body(c1_hbm, out_hbm, c_v, out_v):
    wid = lax.axis_index("s") * NC + lax.axis_index("c")
    pltpu.sync_copy(c1_hbm, c_v)
    v = c_v[pl.ds(0, L)]
    for k in range(SPW // L):
        out_v[pl.ds(k * L, L)] = v
    pltpu.sync_copy(out_v, out_hbm.at[pl.ds(wid * SPW, SPW)])


_probe = pl.kernel(
    _sc_body,
    out_type=jax.ShapeDtypeStruct((N,), jnp.float32),
    mesh=plsc.VectorSubcoreMesh(core_axis_name="c", subcore_axis_name="s",
                                num_cores=NC, num_subcores=NS),
    compiler_params=pltpu.CompilerParams(needs_layout_passes=False),
    scratch_types=[
        pltpu.VMEM((32,), jnp.float32),
        pltpu.VMEM((SPW,), jnp.float32),
    ],
)


@jax.jit
def kernel(input_data, FRB_weights, c1, c2):
    return _probe(c1)

# --- scband reference (transcript-rebuilt; emitter-appended) ---
"""Pipeline reference for scband-single-t2-fls-mamdani-11622181503714 (READ-ONLY COPY).

The authoritative reference and input builder live on the scoring server;
editing this copy changes nothing except your own understanding.
"""

import jax, jax.numpy as jnp
import numpy as np

R = 32  # FuzzyRuleNum
A = 8   # FuzzyAntecedentsNum
N = 4096  # samples
EPS = 1e-12


def setup_inputs(seed: int = 0) -> dict:
    key = jax.random.key(seed)
    k1, k2, k3, k4 = jax.random.split(key, 4)
    input_data = jax.random.normal(k1, (N, A), dtype=jnp.float32)
    # original: abs(randn); shift sigmas away from 0 to keep memberships non-degenerate
    FRB_weights = jnp.abs(jax.random.normal(k2, (3 * R * A,), dtype=jnp.float32)) * 0.5 + 1.0
    c1 = jnp.abs(jax.random.normal(k3, (R,), dtype=jnp.float32))
    c2 = jnp.abs(jax.random.normal(k4, (R,), dtype=jnp.float32))
    return {"input_data": input_data, "FRB_weights": FRB_weights, "c1": c1, "c2": c2}


def _gauss_type2(x, m, sa, sb):
    # interval type-2 Gaussian with uncertain std: params (m, sigma_a, sigma_b)
    s_big = jnp.maximum(sa, sb)
    s_small = jnp.minimum(sa, sb)
    d2 = (x - m) ** 2
    mu_big = jnp.exp(-0.5 * d2 / (s_big ** 2))    # upper membership (wider sigma)
    mu_small = jnp.exp(-0.5 * d2 / (s_small ** 2))  # lower membership
    return mu_small, mu_big


def _forward(input_data, FRB_weights, c1, c2):
    # locat_num = A*j + k as in original; params = FRB_weights[locat:locat+3]
    idx = jnp.arange(R)[:, None] * A + jnp.arange(A)[None, :]  # [R, A]
    m = jnp.take(FRB_weights, idx)
    sa = jnp.take(FRB_weights, idx + 1)
    sb = jnp.take(FRB_weights, idx + 2)
    x = input_data[:, None, :]                 # [N, 1, A]
    mu_small, mu_big = _gauss_type2(x, m[None, :, :], sa[None, :, :], sb[None, :, :])
    UU = jnp.prod(mu_big, axis=2)              # [N, R] upper firing strengths
    LL = jnp.prod(mu_small, axis=2)            # [N, R] lower firing strengths

    # ---- Compute_LeftPoint (KM-style iteration, vectorized over samples) ----
    ord1 = jnp.argsort(c1)
    b2 = jnp.take(c1, ord1)                    # c1 sorted ascending
    UUs = jnp.take(UU, ord1, axis=1)
    LLs = jnp.take(LL, ord1, axis=1)
    s0 = jnp.sum(b2[None, :] * LLs, axis=1)
    t0 = jnp.sum(LLs, axis=1)
    dlt = UUs - LLs
    s_cum = s0[:, None] + jnp.cumsum(b2[None, :] * dlt, axis=1)
    t_cum = t0[:, None] + jnp.cumsum(dlt, axis=1)
    ratios_l = jnp.concatenate([(s0 / (t0 + EPS))[:, None], s_cum / (t_cum + EPS)], axis=1)
    l_out = jnp.min(ratios_l, axis=1)

    # ---- Compute_RightPoint ----
    ord2 = jnp.argsort(c2)
    b1 = jnp.take(c2, ord2)
    UUs2 = jnp.take(UU, ord2, axis=1)
    LLs2 = jnp.take(LL, ord2, axis=1)
    s0r = jnp.sum(b1[None, :] * UUs2, axis=1)
    t0r = jnp.sum(UUs2, axis=1)
    dr = LLs2 - UUs2
    s_cumr = s0r[:, None] + jnp.cumsum(b1[None, :] * dr, axis=1)
    t_cumr = t0r[:, None] + jnp.cumsum(dr, axis=1)
    ratios_r = jnp.concatenate([(s0r / (t0r + EPS))[:, None], s_cumr / (t_cumr + EPS)], axis=1)
    r_out = jnp.max(ratios_r, axis=1)

    return (r_out + l_out) / 2.0               # [N]


def reference(input_data, FRB_weights, c1, c2):
    return _forward(input_data, FRB_weights, c1, c2)

if __name__ == "__main__":
    import jax
    _d = setup_inputs()
    print(jax.jit(kernel)(*tuple(_d.values())))

</pallas_src>

<mosaic_0001>
#map = affine_map<(d0, d1) -> (0)>
module attributes {stable_mosaic.version = 14 : i64} {
  func.func @_sc_body(%arg0: i32, %arg1: i32, %arg2: memref<32xf32, #tpu.memory_space<hbm>>, %arg3: memref<4096xf32, #tpu.memory_space<hbm>>, %arg4: memref<32xf32, #tpu.memory_space<vmem>>, %arg5: memref<128xf32, #tpu.memory_space<vmem>>) attributes {dimension_semantics = [#tpu.dimension_semantics<core_parallel>, #tpu.dimension_semantics<subcore_parallel>], iteration_bounds = array<i64: 2, 16>, scalar_prefetch = 0 : i64, scratch_operands = 2 : i64, tpu.core_type = #tpu.core_type<sc_vector_subcore>, window_params = [{transform_indices = #map}, {transform_indices = #map}]} {
    %mul3A = arith.constant 2 : i32
    %mul3A_0 = arith.muli %arg1, %mul3A : i32
    %add3A = arith.addi %mul3A_0, %arg0 : i32
    "tpu.region"() ({
      %run_scoped3A = tpu.sem_alloc : memref<!tpu.dma_semaphore, #tpu.memory_space<semaphore_mem>>
      tpu.enqueue_dma source(%arg2 : memref<32xf32, #tpu.memory_space<hbm>>) target(%arg4 : memref<32xf32, #tpu.memory_space<vmem>>) target_semaphore(%run_scoped3A : memref<!tpu.dma_semaphore, #tpu.memory_space<semaphore_mem>>)
      tpu.wait_dma2 semaphore(%run_scoped3A : memref<!tpu.dma_semaphore, #tpu.memory_space<semaphore_mem>>) src(%arg2 : memref<32xf32, #tpu.memory_space<hbm>>) dst(%arg4 : memref<32xf32, #tpu.memory_space<vmem>>)
      tpu.yield
    }) : () -> ()
    %get3A = arith.constant 0 : index
    %get3A_1 = tpu.vector_load %arg4[%get3A] {strides = array<i32>} : memref<32xf32, #tpu.memory_space<vmem>>, vector<16xf32>,
    %swap3A = arith.constant 0 : index
    %swap3A_2 = tpu.vector_load %arg5[%swap3A] {strides = array<i32>} : memref<128xf32, #tpu.memory_space<vmem>>, vector<16xf32>,
    tpu.vector_store %arg5[%swap3A], %get3A_1 {strides = array<i32>} : memref<128xf32, #tpu.memory_space<vmem>>, vector<16xf32>,
    %swap3A_3 = arith.constant 16 : index
    %swap3A_4 = tpu.vector_load %arg5[%swap3A_3] {strides = array<i32>} : memref<128xf32, #tpu.memory_space<vmem>>, vector<16xf32>,
    tpu.vector_store %arg5[%swap3A_3], %get3A_1 {strides = array<i32>} : memref<128xf32, #tpu.memory_space<vmem>>, vector<16xf32>,
    %swap3A_5 = arith.constant 32 : index
    %swap3A_6 = tpu.vector_load %arg5[%swap3A_5] {strides = array<i32>} : memref<128xf32, #tpu.memory_space<vmem>>, vector<16xf32>,
    tpu.vector_store %arg5[%swap3A_5], %get3A_1 {strides = array<i32>} : memref<128xf32, #tpu.memory_space<vmem>>, vector<16xf32>,
    %swap3A_7 = arith.constant 48 : index
    %swap3A_8 = tpu.vector_load %arg5[%swap3A_7] {strides = array<i32>} : memref<128xf32, #tpu.memory_space<vmem>>, vector<16xf32>,
    tpu.vector_store %arg5[%swap3A_7], %get3A_1 {strides = array<i32>} : memref<128xf32, #tpu.memory_space<vmem>>, vector<16xf32>,
    %swap3A_9 = arith.constant 64 : index
    %swap3A_10 = tpu.vector_load %arg5[%swap3A_9] {strides = array<i32>} : memref<128xf32, #tpu.memory_space<vmem>>, vector<16xf32>,
    tpu.vector_store %arg5[%swap3A_9], %get3A_1 {strides = array<i32>} : memref<128xf32, #tpu.memory_space<vmem>>, vector<16xf32>,
    %swap3A_11 = arith.constant 80 : index
    %swap3A_12 = tpu.vector_load %arg5[%swap3A_11] {strides = array<i32>} : memref<128xf32, #tpu.memory_space<vmem>>, vector<16xf32>,
    tpu.vector_store %arg5[%swap3A_11], %get3A_1 {strides = array<i32>} : memref<128xf32, #tpu.memory_space<vmem>>, vector<16xf32>,
    %swap3A_13 = arith.constant 96 : index
    %swap3A_14 = tpu.vector_load %arg5[%swap3A_13] {strides = array<i32>} : memref<128xf32, #tpu.memory_space<vmem>>, vector<16xf32>,
    tpu.vector_store %arg5[%swap3A_13], %get3A_1 {strides = array<i32>} : memref<128xf32, #tpu.memory_space<vmem>>, vector<16xf32>,
    %swap3A_15 = arith.constant 112 : index
    %swap3A_16 = tpu.vector_load %arg5[%swap3A_15] {strides = array<i32>} : memref<128xf32, #tpu.memory_space<vmem>>, vector<16xf32>,
    tpu.vector_store %arg5[%swap3A_15], %get3A_1 {strides = array<i32>} : memref<128xf32, #tpu.memory_space<vmem>>, vector<16xf32>,
    %mul3A_17 = arith.constant 128 : i32
    %mul3A_18 = arith.muli %add3A, %mul3A_17 : i32
    "tpu.region"() ({
      %run_scoped3A = tpu.sem_alloc : memref<!tpu.dma_semaphore, #tpu.memory_space<semaphore_mem>>
      %dma_start3A = tpu.memref_slice %arg3[%mul3A_18] : memref<4096xf32, #tpu.memory_space<hbm>> -> memref<128xf32, #tpu.memory_space<hbm>>
      %dma_start3A_19 = tpu.memref_slice %arg3[%mul3A_18] : memref<4096xf32, #tpu.memory_space<hbm>> -> memref<128xf32, #tpu.memory_space<hbm>>
      tpu.enqueue_dma source(%arg5 : memref<128xf32, #tpu.memory_space<vmem>>) target(%dma_start3A_19 : memref<128xf32, #tpu.memory_space<hbm>>) target_semaphore(%run_scoped3A : memref<!tpu.dma_semaphore, #tpu.memory_space<semaphore_mem>>)
      %dma_wait3A = tpu.memref_slice %arg3[%mul3A_18] : memref<4096xf32, #tpu.memory_space<hbm>> -> memref<128xf32, #tpu.memory_space<hbm>>
      %dma_wait3A_20 = tpu.memref_slice %arg3[%mul3A_18] : memref<4096xf32, #tpu.memory_space<hbm>> -> memref<128xf32, #tpu.memory_space<hbm>>
      tpu.wait_dma2 semaphore(%run_scoped3A : memref<!tpu.dma_semaphore, #tpu.memory_space<semaphore_mem>>) src(%arg5 : memref<128xf32, #tpu.memory_space<vmem>>) dst(%dma_wait3A_20 : memref<128xf32, #tpu.memory_space<hbm>>)
      tpu.yield
    }) : () -> ()
    return
  }
}

</mosaic_0001>

<sc_bundles>
// kernel: kernel.3.cloned.1.call-start
scs
__scs_entry_jumppad:
0x0: {  	(pc) =	sbr.rel $0x88, $3  }
0x1: {  	(tag) =	ssettag $0x0;
	lr =	simm.s32 $0x1  }
0x2: {  	[smem:$0x3FA0] =	sst lr;
	_ =	strace $0xD0000000  }
0x3: {  	_ = 	snop  }
0x4: {  	_ = 	snop  }
0x5: {  	_ = 	snop  }
0x6: {  	_ = 	snop  }
0x7: {  	_ = 	snop  }
__scs_overlays_trampoline_lowered:
0x8: {  	[smem:$0x3FAF] =	sst s0  }
0x9: {  	[smem:$0x3FB0] =	sst s1  }
0xa: {  	[smem:$0x3FB1] =	sst s2  }
0xb: {  	[smem:$0x3FB2] =	sst s3  }
0xc: {  	[smem:$0x3FB3] =	sst s4  }
0xd: {  	[smem:$0x3FB4] =	sst s5  }
0xe: {  	[smem:$0x3FB5] =	sst s6  }
0xf: {  	[smem:$0x3FB6] =	sst s7  }
0x10: {  	[smem:$0x3FB7] =	sst s8  }
0x11: {  	[smem:$0x3FB8] =	sst s9;
	s0 =	simm.s32 @!p0 $0x0  }
0x12: {  	s1 =	sld [smem:$0x3F9E];
	s0 =	simm.s32 @p0 $0x1  }
0x13: {  	[smem:$0x3FB9] =	sst s0;
	s0 =	simm.s32 @!p1 $0x0  }
0x14: {  	s2 =	sld [smem:$0x3F9D];
	s0 =	simm.s32 @p1 $0x1  }
0x15: {  	[smem:$0x3FBA] =	sst s0;
	s0 =	simm.s32 @!p2 $0x0  }
0x16: {  	s3 =	sld [smem:$0x3FDB];
	s0 =	simm.s32 @p2 $0x1  }
0x17: {  	s4 =	simm.s32 $0x1BF5;
	[smem:$0x3FBC] =	sst s0  }
0x18: {  	s0 =	sld [smem:$0x3F9F];
	_ =	swait.ge [sflag:s4], $0x0  }
0x19: {  	s7 =	sld [smem:$0x3FA0]  }
0x1a: {  	s8 =	sadd.s32 $0xFFFFE003, lr  }
0x1b: {  	s9 =	sadd.s32 $0xFFFFFEF7, lr;
	s5 =	simm.s32 $0xFFFFFFFF;
	p2 =	slt.u32 s8, $0xFFFFF086  }
0x1c: {  	p1 =	slt.u32 s9, $0xF7A;
	s5 =	simm.s32 @!p2 $0x0  }
0x1d: {  	s5 =	simm.s32 @p1 $0x1;
	p0 =	seq.s32 s7, s2  }
0x1e: {  	s7 =	smul.u32 @!p0 $0xF7A, s2;
	p2 =	seq.s32 @!p0 s5, $0x0  }
0x1f: {  	s9 =	smul.u32 $0xF7A, s1;
	s8 =	simm.s32 @!p0 $0x1BF5;
	p2 =	por !p2, p0  }
0x20: {  	[sflag:s8] =	ssyncset.s32 @!p0 $0xFFFFF086;
	s6 =	sadd.s32 @!p0 s3, s7;
	s7 =	simm.s32 @!p0 $0x108  }
0x21: {  	s3 =	sadd.s32 s3, s9;
	s6 =	sadd.s32 @!p0 $0x88, s6;
	s7 =	simm.s32 @p2 $0x1082  }
0x22: {  	[simem:s7], [sflag:s8] =	dma.local @!p0 [hbm:s6], $0xF7A  }
0x23: {  	s9 =	sor.u32 $0xD0000000, s2;
	s6 =	simm.s32 $0x108;
	_ =	swait.ge @!p0 [sflag:s8], $0x0  }
0x24: {  	s3 =	sadd.s32 $0x88, s3;
	s6 =	simm.s32 @!p1 $0x1082;
	[sflag:s4] =	ssyncset.s32 $0xFFFFF086  }
0x25: {  	[simem:s6], [sflag:s4] =	dma.local [hbm:s3], $0xF7A  }
0x26: {  	[smem:$0x3FA0] =	sst s1;
	(tag) =	ssettag s2;
	_ =	strace s9  }
0x27: {  	s1 =	sld [smem:$0x3FB0]  }
0x28: {  	s2 =	sld [smem:$0x3FB1]  }
0x29: {  	s4 =	sld [smem:$0x3FB3]  }
0x2a: {  	p0 =	seq.s32 s5, $0x0;
	s5 =	sld [smem:$0x3FB4]  }
0x2b: {  	s6 =	sld [smem:$0x3FB5]  }
0x2c: {  	s7 =	sld [smem:$0x3FB6]  }
0x2d: {  	s3 =	simm.s32 $0x108;
	s8 =	sld [smem:$0x3FB7]  }
0x2e: {  	s3 =	simm.s32 @!p0 $0x1082;
	s9 =	sld [smem:$0x3FB8]  }
0x2f: {  	lr =	sadd.s32 s0, s3;
	s0 =	sld [smem:$0x3FAF]  }
0x30: {  	s3 =	sld [smem:$0x3FB2]  }
0x31: {  	[smem:$0x3FBB] =	sst s10  }
0x32: {  	s10 =	sld [smem:$0x3FB9];
	_ =	sdelay $0x3  }
0x33: {  	p0 =	seq.s32 s10, $0x1;
	s10 =	sld [smem:$0x3FBB];
	_ =	sdelay $0x3  }
0x34: {  	[smem:$0x3FBB] =	sst s10  }
0x35: {  	s10 =	sld [smem:$0x3FBA];
	_ =	sdelay $0x3  }
0x36: {  	p1 =	seq.s32 s10, $0x1;
	s10 =	sld [smem:$0x3FBB];
	_ =	sdelay $0x3  }
0x37: {  	[smem:$0x3FBB] =	sst s10  }
0x38: {  	s10 =	sld [smem:$0x3FBC]  }
0x39: {  	_ = 	snop;
	(pc) =	sbr.ind lr, $3  }
0x3a: {  	_ = 	snop  }
0x3b: {  	_ = 	snop  }
0x3c: {  	p2 =	seq.s32 s10, $0x1;
	s10 =	sld [smem:$0x3FBB]  }
0x3d: {  	_ =	shalt  }
0x3e: {  	_ =	shalt  }
0x3f: {  	_ =	shalt  }
0x40: {  	_ =	shalt  }
0x41: {  	_ =	shalt  }
0x42: {  	_ =	shalt  }
0x43: {  	_ =	shalt  }
0x44: {  	_ =	shalt  }
0x45: {  	_ =	shalt  }
0x46: {  	_ =	shalt  }
0x47: {  	_ =	shalt  }
0x48: {  	_ =	shalt  }
0x49: {  	_ =	shalt  }
0x4a: {  	_ =	shalt  }
0x4b: {  	_ =	shalt  }
0x4c: {  	_ =	shalt  }
0x4d: {  	_ =	shalt  }
0x4e: {  	_ =	shalt  }
0x4f: {  	_ =	shalt  }
0x50: {  	_ =	shalt  }
0x51: {  	_ =	shalt  }
0x52: {  	_ =	shalt  }
0x53: {  	_ =	shalt  }
0x54: {  	_ =	shalt  }
0x55: {  	_ =	shalt  }
0x56: {  	_ =	shalt  }
0x57: {  	_ =	shalt  }
0x58: {  	_ =	shalt  }
0x59: {  	_ =	shalt  }
0x5a: {  	_ =	shalt  }
0x5b: {  	_ =	shalt  }
0x5c: {  	_ =	shalt  }
0x5d: {  	_ =	shalt  }
0x5e: {  	_ =	shalt  }
0x5f: {  	_ =	shalt  }
0x60: {  	_ =	shalt  }
0x61: {  	_ =	shalt  }
0x62: {  	_ =	shalt  }
0x63: {  	_ =	shalt  }
0x64: {  	_ =	shalt  }
0x65: {  	_ =	shalt  }
0x66: {  	_ =	shalt  }
0x67: {  	_ =	shalt  }
0x68: {  	_ =	shalt  }
0x69: {  	_ =	shalt  }
0x6a: {  	_ =	shalt  }
0x6b: {  	_ =	shalt  }
0x6c: {  	_ =	shalt  }
0x6d: {  	_ =	shalt  }
0x6e: {  	_ =	shalt  }
0x6f: {  	_ =	shalt  }
0x70: {  	_ =	shalt  }
0x71: {  	_ =	shalt  }
0x72: {  	_ =	shalt  }
0x73: {  	_ =	shalt  }
0x74: {  	_ =	shalt  }
0x75: {  	_ =	shalt  }
0x76: {  	_ =	shalt  }
0x77: {  	_ =	shalt  }
0x78: {  	_ =	shalt  }
0x79: {  	_ =	shalt  }
0x7a: {  	_ =	shalt  }
0x7b: {  	_ =	shalt  }
0x7c: {  	_ =	shalt  }
0x7d: {  	_ =	shalt  }
0x7e: {  	_ =	shalt  }
0x7f: {  	_ =	shalt  }
0x80: {  	_ =	shalt  }
0x81: {  	_ =	shalt  }
0x82: {  	_ =	shalt  }
0x83: {  	_ =	shalt  }
0x84: {  	_ =	shalt  }
0x85: {  	_ =	shalt  }
0x86: {  	_ =	shalt  }
0x87: {  	_ =	shalt  }
.Lfunc_end0:
.L_simem_size_0:
called_computation_lowered:
.L_overlay_start_0:
0x88: {  	s2 =	sld [smem:$0x3FD9]  }
0x89: {  	s3 =	sld [smem:$0x3FFE];
	_ =	sdelay $0x1  }
0x8a: {  	s1 =	srdreg.scid  }
0x8b: {  	s0 =	sand.u32 $0x1, s1  }
0x8c: {  	s18 =	sshll.u32 s0, $0xA;
	s2 =	sadd.s32 s3, s2  }
0x8d: {  	s2 =	sadd.s32 s2, s18  }
0x8e: {  	[smem:$0x3FC7] =	sst s2  }
0x8f: {  	_ = 	snop  }
0x90: {  	s2 =	sld [smem:$0x3FC9]  }
0x91: {  	s19 =	sld [smem:$0x3FD0];
	(tm) =	ssettm $0x1  }
0x92: {  	s4 =	sld [smem:$0x3FFB];
	_ =	sdelay $0x3  }
0x93: {  	_ =	strace s4  }
0x94: {  	s4 =	sld [smem:$0x3FFC];
	_ =	sdelay $0x3  }
0x95: {  	_ =	strace s4  }
0x96: {  	s4 =	sld [smem:$0x3FFD];
	_ =	sdelay $0x3  }
0x97: {  	_ =	strace s4  }
0x98: {  	_ =	strace $0x8FFFFFFF  }
0x99: {  	s20 =	sld [smem:$0x3FDB];
	_ =	sdelay $0x1  }
0x9a: {  	s5 =	simm.s32 $_scs_section_size  }
0x9b: {  	s6 =	simm.s32 $_size__tile_overlayer_lowered;
	s7 =	simm.s32 $_tile_overlayer_lowered  }
0x9c: {  	s23 =	simm.s32 $0x1BFF;
	s22 =	sshll.u32 s7, $0x1;
	s4 =	sadd.s32 s5, s20  }
0x9d: {  	s8 =	simm.s32 $0x0;
	s21 =	sshll.u32 s6, $0x1;
	s6 =	sadd.s32 s22, s4  }
0x9e: {  	[timem:s8], [sflag:s23] =	dma.local [hbm:s6], s21  }
0x9f: {  	_ =	swait.ge [sflag:s23], s21  }
0xa0: {  	s5 =	ssub.s32 $0x0, s21;
	[sflag:s23] =	ssyncset.done $0x0  }
0xa1: {  	[sflag:s23] =	ssyncadd.s32 s5;
	_ =	sdelay $0x1  }
0xa2: {  	s24 =	simm.s32 $0x1B8B  }
0xa3: {  	_ =	swait.ge [sflag:s24], $0x1  }
0xa4: {  	[sflag:s24] =	ssyncset.done $0x0  }
0xa5: {  	s25 =	simm.s32 $0x1B8E;
	[sflag:s24] =	ssyncadd.s32 $0xFFFFFFFF  }
0xa6: {  	s26 =	simm.s32 $execute0_lowered;
	[smem:$0x3FD2] =	sst s25  }
0xa7: {  	s5 =	sshll.u32 s26, $0x1;
	_ =	strace $0x80000046;
	[dreg:$0x1] =	wrdreg $0xFFFFFFFF  }
0xa8: {  	s28 =	simm.s32 $_size_execute0_lowered;
	s4 =	sadd.s32 s4, s5;
	[dreg:$0x0] =	wrdreg $0x0  }
0xa9: {  	s5 =	sshll.u32 s28, $0x1;
	[dreg:$0x2] =	wrdreg s4  }
0xaa: {  	[dreg:$0x3] =	wrdreg s5  }
0xab: {  	[dreg:$0x4] =	wrdreg $0xC0  }
0xac: {  	_ =	task [dreg:s8], $0x5FFFF  }
0xad: {  	[dreg:$0x1] =	wrdreg $0xFFFFFFFF  }
0xae: {  	[dreg:$0x0] =	wrdreg $0x60  }
0xaf: {  	[dreg:$0x2] =	wrdreg s2  }
0xb0: {  	[dreg:$0x3] =	wrdreg s19  }
0xb1: {  	[dreg:$0x4] =	wrdreg $0x9  }
0xb2: {  	_ =	task.clear_ibuf [dreg:s8], $0x5FFFF;
	_ =	strace $0x90000046  }
0xb3: {  	s29 =	simm.s32 $0x9;
	_ =	strace $0x80000048  }
0xb4: {  	_ =	swait.ge [sflag:s29], $0x1  }
0xb5: {  	[sflag:s29] =	ssyncadd.s32 $0xFFFFFFFF  }
0xb6: {  	_ =	strace $0x90000048  }
0xb7: {  	_ =	sfence  }
0xb8: {  	s30 =	sld [smem:$0x0];
	_ =	sdelay $0x2  }
0xb9: {  	s31 =	sshll.u32 s1, $0xD;
	s1 =	sshrl.u32 s1, $0x2  }
0xba: {  	s3 =	sand.u32 $0x4000, s31;
	s1 =	sadd.s32 s1, s30  }
0xbb: {  	s0 =	sor.u32 s3, s0;
	s1 =	sshll.u32 s1, $0x11  }
0xbc: {  	s0 =	sor.u32 s1, s0  }
0xbd: {  	s0 =	sadd.s32 $0x8F2B, s0  }
0xbe: {  	[sflag:s0] =	ssyncadd.remote.s32 $0x1  }
0xbf: {  	_ =	sfence.sel $0xFFFF  }
0xc0: {  	[dreg:$0x0] =	wrdreg $0xFFFFFFFF;
	(pc) =	sbr.abs _section_cstart, $3  }
0xc1: {  	[dreg:$0x1] =	wrdreg $0xFFFFFFFF  }
0xc2: {  	_ =	task.clear_ibuf [dreg:s8], $0x2FFFF;
	_ =	strace $0x9FFFFFFF  }
0xc3: {  	(tm) =	ssettm $0x7FFFFFFF  }
tec
execute0_lowered:
.L_overlay_start_1:
0x0: {  	(tag) =	ssettag $0x1  }
0x1: {  	s3 =	rddreg [dreg:$0x0]  }
0x2: {  	s5 =	rddreg [dreg:$0x1];
	s1 =	simm.s32 $0x0  }
0x3: {  	[smem:$0x7FF] =	sst s1  }
0x4: {  	s0 =	rddreg [dreg:$0x2];
	s2 =	simm.s32 $0x1;
	_ =	strace $0x80000047  }
0x5: {  	[tilespmem:s1], [sflag:$0x1] =	stream.linear.gather [hbm4b:s3+s1], $0x80, $0x38;
	[tilespmem:$0x100] =	vst v63  }
0x6: {  	s4 =	srdreg.scid;
	_ =	swait.ge [sflag:s2], $0x80  }
0x7: {  	s6 =	sand.u32 $0x1, s4;
	[sflag:s2] =	ssyncset.done $0x0  }
0x8: {  	s4 =	ssub.s32 $0x2, s6;
	[sflag:s2] =	ssyncadd.s32 $0xFFFFFF80  }
0x9: {  	s7 =	sshrl.u32 s4, $0x1;
	v0 =	vld [tilespmem:$0x0]  }
0xa: {  	s7 =	ssub.s32 s4, s7  }
0xb: {  	s7 =	smax.u32 s7, $0x1  }
0xc: {  	p0 =	sne.s32 s7, $0x1  }
.Ltmp0:
0xd: {  	_ = 	snop;
	(pc) =	sbr.rel @!p0 .LBB2_2-.Ltmp0, $4  }
0xe: {  	[tilespmem:$0xF0] =	vst v0  }
0xf: {  	s6 =	sshll.u32 s6, $0x4;
	s4 =	stileid.u32;
	[tilespmem:$0xE0] =	vst v0  }
0x10: {  	s5 =	sadd.s32 s5, s6;
	s31 =	sshll.u32 s4, $0x5;
	[tilespmem:$0xD0] =	vst v0  }
0x11: {  	s6 =	simm.s32 $0x80;
	s5 =	sadd.s32 s31, s5;
	s7 =	sadd.s32 $0xFFFFFFFF, s7;
	[tilespmem:$0xC0] =	vst v0  }
.LBB2_1:
0x12: {  	p0 =	sne.s32 s7, $0x1;
	s7 =	sadd.s32 $0xFFFFFFFF, s7;
	[tilespmem:$0xB0] =	vst v0  }
0x13: {  	[tilespmem:$0xA0] =	vst v0  }
0x14: {  	[tilespmem:$0x80] =	vst v0  }
0x15: {  	[tilespmem:$0x90] =	vst v0  }
0x16: {  	[hbm4b:s5+s1] =	stream.linear.scatter [tilespmem:s6], [sflag:$0x1], $0x80, $0x38;
	[tilespmem:$0x100] =	vst v63  }
0x17: {  	_ =	swait.ge [sflag:s2], $0x80  }
0x18: {  	[sflag:s2] =	ssyncset.done $0x0  }
0x19: {  	[sflag:s2] =	ssyncadd.s32 $0xFFFFFF80  }
0x1a: {  	[tilespmem:s1], [sflag:$0x1] =	stream.linear.gather [hbm4b:s3+s1], $0x80, $0x38;
	[tilespmem:$0x100] =	vst v63  }
0x1b: {  	_ =	swait.ge [sflag:s2], $0x80  }
0x1c: {  	[sflag:s2] =	ssyncset.done $0x0  }
0x1d: {  	[sflag:s2] =	ssyncadd.s32 $0xFFFFFF80  }
0x1e: {  	v0 =	vld [tilespmem:$0x0];
	_ =	sdelay $0x3  }
.Ltmp1:
0x1f: {  	(pc) =	sbr.rel @p0 .LBB2_1-.Ltmp1, $4  }
0x20: {  	[tilespmem:$0xF0] =	vst v0  }
0x21: {  	[tilespmem:$0xE0] =	vst v0  }
0x22: {  	[tilespmem:$0xD0] =	vst v0  }
0x23: {  	[tilespmem:$0xC0] =	vst v0  }
.LBB2_2:
0x24: {  	[tilespmem:$0xB0] =	vst v0  }
0x25: {  	[tilespmem:$0xA0] =	vst v0  }
0x26: {  	[tilespmem:$0x80] =	vst v0  }
0x27: {  	[tilespmem:$0x90] =	vst v0  }
0x28: {  	[hbm4b:s5+s1] =	stream.linear.scatter [tilespmem:s6], [sflag:$0x1], $0x80, $0x38;
	[tilespmem:$0x100] =	vst v63  }
0x29: {  	_ =	swait.ge [sflag:s2], $0x80  }
0x2a: {  	[sflag:s2] =	ssyncset.done $0x0  }
0x2b: {  	[sflag:s2] =	ssyncadd.s32 $0xFFFFFF80  }
0x2c: {  	_ =	sfence.sel $0x180000  }
0x2d: {  	[bflag:$0x0] =	sbarrier.arrive $0xFFFF  }
0x2e: {  	p0 =	sne.s32 s4, $0x0;
	_ =	strace $0x90000047  }
0x2f: {  	s0 =	sadd.s32 @!p0 $0x100000, s0;
	[bflag:$0x2] =	sbarrier.arrive $0xFFFF  }
0x30: {  	[sflag:s0] =	ssyncadd.tile.s32 @!p0 $0x1;
	_ =	shalt  }
.Lfunc_end2:
_tile_overlayer_lowered:
.L_overlay_start_2:
0x31: {  	(tag) =	ssettag $0x2  }
0x32: {  	s0 =	rddreg [dreg:$0x0];
	s2 =	stileid.u32  }
0x33: {  	s1 =	rddreg [dreg:$0x1];
	p0 =	sne.s32 s2, $0x0  }
0x34: {  	s3 =	rddreg [dreg:$0x2];
	[bflag:$0x3] =	sbarrier.arrive $0xFFFF;
	s2 =	simm.s32 @!p0 $0x1C01  }
0x35: {  	[timem:s3], [sflag:s2] =	dma.local @!p0 [hbm:s0], s1  }
0x36: {  	s0 =	simm.s32 @!p0 $0x1  }
0x37: {  	_ =	swait.ge @!p0 [sflag:s0], s1  }
0x38: {  	s1 =	ssub.s32 @!p0 $0x0, s1;
	[sflag:s0] =	ssyncset.done @!p0 $0x0  }
0x39: {  	[sflag:s0] =	ssyncadd.s32 @!p0 s1  }
0x3a: {  	[bflag:$0x3] =	sbarrier.arrive $0xFFFF  }
0x3b: {  	_ =	shalt  }

</sc_bundles>
